<compile_context>
chip_gen: v7x
topology: tpu7x:2x2x1
jax: 0.10.2.dev20260603
libtpu: 0.0.44.dev20260713+nightly
codegen_flags: <defaults>
</compile_context>

<pallas_src>
import functools

import jax
import jax.numpy as jnp
from jax.experimental import pallas as pl
from jax.experimental.pallas import tpu as pltpu
from jax.experimental.pallas import tpu_sc as plsc

_PAIRS = [[0,3],[1,17],[0,250],[1,999],[0,1500],[1,4096],[0,7777],[1,12345],[0,20000],[1,33333],[0,45000],[1,54321],[0,60000],[1,77777],[0,88888],[1,99998],[1,3],[0,17],[1,250],[0,999],[1,1500],[0,4096],[1,7777],[0,12345],[1,20000],[0,33333],[1,45000],[0,54321],[1,60000],[0,77777],[1,88888],[0,99998],[0,3],[0,99998],[1,17],[1,88888],[0,250],[0,77777],[1,999],[1,60000],[0,1500],[0,54321],[1,4096],[1,45000],[0,7777],[0,33333],[1,12345],[1,20000]]

_N_OUT = len(_PAIRS)
_D = 128


def _sc_body(t0_hbm, t1_hbm, out_hbm, sem):
    tables = (t0_hbm, t1_hbm)
    for i, (layer, row) in enumerate(_PAIRS):
        pltpu.async_copy(tables[layer].at[row], out_hbm.at[i], sem)
    pltpu.make_async_copy(t0_hbm.at[pl.ds(0, _N_OUT)], out_hbm, sem).wait()


_gather_call = functools.partial(
    pl.kernel,
    mesh=plsc.ScalarSubcoreMesh(axis_name="c", num_cores=1),
    out_type=jax.ShapeDtypeStruct((_N_OUT, _D), jnp.float32),
    scratch_types=[
        pltpu.SemaphoreType.DMA,
    ],
)(_sc_body)


@jax.jit
def kernel(layer_values_0, layer_values_1):
    return _gather_call(layer_values_0, layer_values_1)

# --- scband reference (transcript-rebuilt; emitter-appended) ---
"""Pipeline reference for scband-multi-layer-gather-59502476919118 (READ-ONLY COPY).

The authoritative reference and input builder live on the scoring server;
editing this copy changes nothing except your own understanding.
"""

import jax, jax.numpy as jnp
import numpy as np

PAIRS = [[0,3],[1,17],[0,250],[1,999],[0,1500],[1,4096],[0,7777],[1,12345],[0,20000],[1,33333],[0,45000],[1,54321],[0,60000],[1,77777],[0,88888],[1,99998],[1,3],[0,17],[1,250],[0,999],[1,1500],[0,4096],[1,7777],[0,12345],[1,20000],[0,33333],[1,45000],[0,54321],[1,60000],[0,77777],[1,88888],[0,99998],[0,3],[0,99998],[1,17],[1,88888],[0,250],[0,77777],[1,999],[1,60000],[0,1500],[0,54321],[1,4096],[1,45000],[0,7777],[0,33333],[1,12345],[1,20000]]

_layers = sorted(set(l for l, _ in PAIRS), reverse=True)
_per_layer = {l: sorted(set(o for ll, o in PAIRS if ll == l)) for l in _layers}
_sizes = [len(_per_layer[l]) for l in _layers]
_prefixes = np.concatenate([[0], np.cumsum(_sizes)[:-1]]).astype(np.int64)
_layers_map = {l: i for i, l in enumerate(_layers)}
_pos = {l: {o: i for i, o in enumerate(_per_layer[l])} for l in _layers}
FINAL_IDX = np.array([_prefixes[_layers_map[l]] + _pos[l][o] for l, o in PAIRS], dtype=np.int32)
LAYER_IDX = {l: np.array(_per_layer[l], dtype=np.int32) for l in _layers}


def setup_inputs(seed: int = 0) -> dict:
    key = jax.random.key(seed)
    k0, k1 = jax.random.split(key)
    return {
        "layer_values_0": jax.random.normal(k0, (100000, 128), dtype=jnp.float32),
        "layer_values_1": jax.random.normal(k1, (100000, 128), dtype=jnp.float32),
    }


def reference(layer_values_0, layer_values_1):
    vals = {0: layer_values_0, 1: layer_values_1}
    # per-layer gathers (SingleLayerGather -> index_select -> jnp.take)
    gathered = [jnp.take(vals[l], jnp.asarray(LAYER_IDX[l]), axis=0) for l in _layers]
    # broadcast hull over trailing dims is identical here (both [*, 128]), so expand is a no-op
    cat = jnp.concatenate(gathered, axis=0)
    # final gather over concatenated rows
    out = jnp.take(cat, jnp.asarray(FINAL_IDX), axis=0)
    return out

if __name__ == "__main__":
    import jax
    _d = setup_inputs()
    print(jax.jit(kernel)(*tuple(_d.values())))

</pallas_src>

<mosaic_0001>
#map = affine_map<(d0) -> (0, 0)>
module attributes {stable_mosaic.version = 14 : i64} {
  func.func @_sc_body(%arg0: i32, %arg1: memref<100000x128xf32, #tpu.memory_space<hbm>>, %arg2: memref<100000x128xf32, #tpu.memory_space<hbm>>, %arg3: memref<48x128xf32, #tpu.memory_space<hbm>>, %arg4: memref<!tpu.dma_semaphore, #tpu.memory_space<semaphore_mem>>) attributes {dimension_semantics = [#tpu.dimension_semantics<core_parallel>], iteration_bounds = array<i64: 1>, scalar_prefetch = 0 : i64, scratch_operands = 1 : i64, tpu.core_type = #tpu.core_type<sc_scalar_subcore>, window_params = [{transform_indices = #map}, {transform_indices = #map}, {transform_indices = #map}]} {
    %dma_start3A = arith.constant 3 : i32
    %dma_start3A_0 = arith.constant 0 : i32
    %dma_start3A_1 = arith.constant 0 : i32
    %dma_start3A_2 = tpu.memref_slice %arg3[%dma_start3A_0, %dma_start3A_1] : memref<48x128xf32, #tpu.memory_space<hbm>> -> memref<1x128xf32, #tpu.memory_space<hbm>>
    %dma_start3A_3 = tpu.memref_squeeze %dma_start3A_2 : memref<1x128xf32, #tpu.memory_space<hbm>> -> memref<128xf32, #tpu.memory_space<hbm>>
    %dma_start3A_4 = arith.constant 0 : i32
    %dma_start3A_5 = tpu.memref_slice %arg1[%dma_start3A, %dma_start3A_4] : memref<100000x128xf32, #tpu.memory_space<hbm>> -> memref<1x128xf32, #tpu.memory_space<hbm>>
    %dma_start3A_6 = tpu.memref_squeeze %dma_start3A_5 : memref<1x128xf32, #tpu.memory_space<hbm>> -> memref<128xf32, #tpu.memory_space<hbm>>
    tpu.enqueue_dma source(%dma_start3A_6 : memref<128xf32, #tpu.memory_space<hbm>>) target(%dma_start3A_3 : memref<128xf32, #tpu.memory_space<hbm>>) target_semaphore(%arg4 : memref<!tpu.dma_semaphore, #tpu.memory_space<semaphore_mem>>)
    %dma_start3A_7 = arith.constant 17 : i32
    %dma_start3A_8 = arith.constant 1 : i32
    %dma_start3A_9 = arith.constant 0 : i32
    %dma_start3A_10 = tpu.memref_slice %arg3[%dma_start3A_8, %dma_start3A_9] : memref<48x128xf32, #tpu.memory_space<hbm>> -> memref<1x128xf32, #tpu.memory_space<hbm>>
    %dma_start3A_11 = tpu.memref_squeeze %dma_start3A_10 : memref<1x128xf32, #tpu.memory_space<hbm>> -> memref<128xf32, #tpu.memory_space<hbm>>
    %dma_start3A_12 = arith.constant 0 : i32
    %dma_start3A_13 = tpu.memref_slice %arg2[%dma_start3A_7, %dma_start3A_12] : memref<100000x128xf32, #tpu.memory_space<hbm>> -> memref<1x128xf32, #tpu.memory_space<hbm>>
    %dma_start3A_14 = tpu.memref_squeeze %dma_start3A_13 : memref<1x128xf32, #tpu.memory_space<hbm>> -> memref<128xf32, #tpu.memory_space<hbm>>
    tpu.enqueue_dma source(%dma_start3A_14 : memref<128xf32, #tpu.memory_space<hbm>>) target(%dma_start3A_11 : memref<128xf32, #tpu.memory_space<hbm>>) target_semaphore(%arg4 : memref<!tpu.dma_semaphore, #tpu.memory_space<semaphore_mem>>)
    %dma_start3A_15 = arith.constant 250 : i32
    %dma_start3A_16 = arith.constant 2 : i32
    %dma_start3A_17 = arith.constant 0 : i32
    %dma_start3A_18 = tpu.memref_slice %arg3[%dma_start3A_16, %dma_start3A_17] : memref<48x128xf32, #tpu.memory_space<hbm>> -> memref<1x128xf32, #tpu.memory_space<hbm>>
    %dma_start3A_19 = tpu.memref_squeeze %dma_start3A_18 : memref<1x128xf32, #tpu.memory_space<hbm>> -> memref<128xf32, #tpu.memory_space<hbm>>
    %dma_start3A_20 = arith.constant 0 : i32
    %dma_start3A_21 = tpu.memref_slice %arg1[%dma_start3A_15, %dma_start3A_20] : memref<100000x128xf32, #tpu.memory_space<hbm>> -> memref<1x128xf32, #tpu.memory_space<hbm>>
    %dma_start3A_22 = tpu.memref_squeeze %dma_start3A_21 : memref<1x128xf32, #tpu.memory_space<hbm>> -> memref<128xf32, #tpu.memory_space<hbm>>
    tpu.enqueue_dma source(%dma_start3A_22 : memref<128xf32, #tpu.memory_space<hbm>>) target(%dma_start3A_19 : memref<128xf32, #tpu.memory_space<hbm>>) target_semaphore(%arg4 : memref<!tpu.dma_semaphore, #tpu.memory_space<semaphore_mem>>)
    %dma_start3A_23 = arith.constant 999 : i32
    %dma_start3A_24 = arith.constant 3 : i32
    %dma_start3A_25 = arith.constant 0 : i32
    %dma_start3A_26 = tpu.memref_slice %arg3[%dma_start3A_24, %dma_start3A_25] : memref<48x128xf32, #tpu.memory_space<hbm>> -> memref<1x128xf32, #tpu.memory_space<hbm>>
    %dma_start3A_27 = tpu.memref_squeeze %dma_start3A_26 : memref<1x128xf32, #tpu.memory_space<hbm>> -> memref<128xf32, #tpu.memory_space<hbm>>
    %dma_start3A_28 = arith.constant 0 : i32
    %dma_start3A_29 = tpu.memref_slice %arg2[%dma_start3A_23, %dma_start3A_28] : memref<100000x128xf32, #tpu.memory_space<hbm>> -> memref<1x128xf32, #tpu.memory_space<hbm>>
    %dma_start3A_30 = tpu.memref_squeeze %dma_start3A_29 : memref<1x128xf32, #tpu.memory_space<hbm>> -> memref<128xf32, #tpu.memory_space<hbm>>
    tpu.enqueue_dma source(%dma_start3A_30 : memref<128xf32, #tpu.memory_space<hbm>>) target(%dma_start3A_27 : memref<128xf32, #tpu.memory_space<hbm>>) target_semaphore(%arg4 : memref<!tpu.dma_semaphore, #tpu.memory_space<semaphore_mem>>)
    %dma_start3A_31 = arith.constant 1500 : i32
    %dma_start3A_32 = arith.constant 4 : i32
    %dma_start3A_33 = arith.constant 0 : i32
    %dma_start3A_34 = tpu.memref_slice %arg3[%dma_start3A_32, %dma_start3A_33] : memref<48x128xf32, #tpu.memory_space<hbm>> -> memref<1x128xf32, #tpu.memory_space<hbm>>
    %dma_start3A_35 = tpu.memref_squeeze %dma_start3A_34 : memref<1x128xf32, #tpu.memory_space<hbm>> -> memref<128xf32, #tpu.memory_space<hbm>>
    %dma_start3A_36 = arith.constant 0 : i32
    %dma_start3A_37 = tpu.memref_slice %arg1[%dma_start3A_31, %dma_start3A_36] : memref<100000x128xf32, #tpu.memory_space<hbm>> -> memref<1x128xf32, #tpu.memory_space<hbm>>
    %dma_start3A_38 = tpu.memref_squeeze %dma_start3A_37 : memref<1x128xf32, #tpu.memory_space<hbm>> -> memref<128xf32, #tpu.memory_space<hbm>>
    tpu.enqueue_dma source(%dma_start3A_38 : memref<128xf32, #tpu.memory_space<hbm>>) target(%dma_start3A_35 : memref<128xf32, #tpu.memory_space<hbm>>) target_semaphore(%arg4 : memref<!tpu.dma_semaphore, #tpu.memory_space<semaphore_mem>>)
    %dma_start3A_39 = arith.constant 4096 : i32
    %dma_start3A_40 = arith.constant 5 : i32
    %dma_start3A_41 = arith.constant 0 : i32
    %dma_start3A_42 = tpu.memref_slice %arg3[%dma_start3A_40, %dma_start3A_41] : memref<48x128xf32, #tpu.memory_space<hbm>> -> memref<1x128xf32, #tpu.memory_space<hbm>>
    %dma_start3A_43 = tpu.memref_squeeze %dma_start3A_42 : memref<1x128xf32, #tpu.memory_space<hbm>> -> memref<128xf32, #tpu.memory_space<hbm>>
    %dma_start3A_44 = arith.constant 0 : i32
    %dma_start3A_45 = tpu.memref_slice %arg2[%dma_start3A_39, %dma_start3A_44] : memref<100000x128xf32, #tpu.memory_space<hbm>> -> memref<1x128xf32, #tpu.memory_space<hbm>>
    %dma_start3A_46 = tpu.memref_squeeze %dma_start3A_45 : memref<1x128xf32, #tpu.memory_space<hbm>> -> memref<128xf32, #tpu.memory_space<hbm>>
    tpu.enqueue_dma source(%dma_start3A_46 : memref<128xf32, #tpu.memory_space<hbm>>) target(%dma_start3A_43 : memref<128xf32, #tpu.memory_space<hbm>>) target_semaphore(%arg4 : memref<!tpu.dma_semaphore, #tpu.memory_space<semaphore_mem>>)
    %dma_start3A_47 = arith.constant 7777 : i32
    %dma_start3A_48 = arith.constant 6 : i32
    %dma_start3A_49 = arith.constant 0 : i32
    %dma_start3A_50 = tpu.memref_slice %arg3[%dma_start3A_48, %dma_start3A_49] : memref<48x128xf32, #tpu.memory_space<hbm>> -> memref<1x128xf32, #tpu.memory_space<hbm>>
    %dma_start3A_51 = tpu.memref_squeeze %dma_start3A_50 : memref<1x128xf32, #tpu.memory_space<hbm>> -> memref<128xf32, #tpu.memory_space<hbm>>
    %dma_start3A_52 = arith.constant 0 : i32
    %dma_start3A_53 = tpu.memref_slice %arg1[%dma_start3A_47, %dma_start3A_52] : memref<100000x128xf32, #tpu.memory_space<hbm>> -> memref<1x128xf32, #tpu.memory_space<hbm>>
    %dma_start3A_54 = tpu.memref_squeeze %dma_start3A_53 : memref<1x128xf32, #tpu.memory_space<hbm>> -> memref<128xf32, #tpu.memory_space<hbm>>
    tpu.enqueue_dma source(%dma_start3A_54 : memref<128xf32, #tpu.memory_space<hbm>>) target(%dma_start3A_51 : memref<128xf32, #tpu.memory_space<hbm>>) target_semaphore(%arg4 : memref<!tpu.dma_semaphore, #tpu.memory_space<semaphore_mem>>)
    %dma_start3A_55 = arith.constant 12345 : i32
    %dma_start3A_56 = arith.constant 7 : i32
    %dma_start3A_57 = arith.constant 0 : i32
    %dma_start3A_58 = tpu.memref_slice %arg3[%dma_start3A_56, %dma_start3A_57] : memref<48x128xf32, #tpu.memory_space<hbm>> -> memref<1x128xf32, #tpu.memory_space<hbm>>
    %dma_start3A_59 = tpu.memref_squeeze %dma_start3A_58 : memref<1x128xf32, #tpu.memory_space<hbm>> -> memref<128xf32, #tpu.memory_space<hbm>>
    %dma_start3A_60 = arith.constant 0 : i32
    %dma_start3A_61 = tpu.memref_slice %arg2[%dma_start3A_55, %dma_start3A_60] : memref<100000x128xf32, #tpu.memory_space<hbm>> -> memref<1x128xf32, #tpu.memory_space<hbm>>
    %dma_start3A_62 = tpu.memref_squeeze %dma_start3A_61 : memref<1x128xf32, #tpu.memory_space<hbm>> -> memref<128xf32, #tpu.memory_space<hbm>>
    tpu.enqueue_dma source(%dma_start3A_62 : memref<128xf32, #tpu.memory_space<hbm>>) target(%dma_start3A_59 : memref<128xf32, #tpu.memory_space<hbm>>) target_semaphore(%arg4 : memref<!tpu.dma_semaphore, #tpu.memory_space<semaphore_mem>>)
    %dma_start3A_63 = arith.constant 20000 : i32
    %dma_start3A_64 = arith.constant 8 : i32
    %dma_start3A_65 = arith.constant 0 : i32
    %dma_start3A_66 = tpu.memref_slice %arg3[%dma_start3A_64, %dma_start3A_65] : memref<48x128xf32, #tpu.memory_space<hbm>> -> memref<1x128xf32, #tpu.memory_space<hbm>>
    %dma_start3A_67 = tpu.memref_squeeze %dma_start3A_66 : memref<1x128xf32, #tpu.memory_space<hbm>> -> memref<128xf32, #tpu.memory_space<hbm>>
    %dma_start3A_68 = arith.constant 0 : i32
    %dma_start3A_69 = tpu.memref_slice %arg1[%dma_start3A_63, %dma_start3A_68] : memref<100000x128xf32, #tpu.memory_space<hbm>> -> memref<1x128xf32, #tpu.memory_space<hbm>>
    %dma_start3A_70 = tpu.memref_squeeze %dma_start3A_69 : memref<1x128xf32, #tpu.memory_space<hbm>> -> memref<128xf32, #tpu.memory_space<hbm>>
    tpu.enqueue_dma source(%dma_start3A_70 : memref<128xf32, #tpu.memory_space<hbm>>) target(%dma_start3A_67 : memref<128xf32, #tpu.memory_space<hbm>>) target_semaphore(%arg4 : memref<!tpu.dma_semaphore, #tpu.memory_space<semaphore_mem>>)
    %dma_start3A_71 = arith.constant 33333 : i32
    %dma_start3A_72 = arith.constant 9 : i32
    %dma_start3A_73 = arith.constant 0 : i32
    %dma_start3A_74 = tpu.memref_slice %arg3[%dma_start3A_72, %dma_start3A_73] : memref<48x128xf32, #tpu.memory_space<hbm>> -> memref<1x128xf32, #tpu.memory_space<hbm>>
    %dma_start3A_75 = tpu.memref_squeeze %dma_start3A_74 : memref<1x128xf32, #tpu.memory_space<hbm>> -> memref<128xf32, #tpu.memory_space<hbm>>
    %dma_start3A_76 = arith.constant 0 : i32
    %dma_start3A_77 = tpu.memref_slice %arg2[%dma_start3A_71, %dma_start3A_76] : memref<100000x128xf32, #tpu.memory_space<hbm>> -> memref<1x128xf32, #tpu.memory_space<hbm>>
    %dma_start3A_78 = tpu.memref_squeeze %dma_start3A_77 : memref<1x128xf32, #tpu.memory_space<hbm>> -> memref<128xf32, #tpu.memory_space<hbm>>
    tpu.enqueue_dma source(%dma_start3A_78 : memref<128xf32, #tpu.memory_space<hbm>>) target(%dma_start3A_75 : memref<128xf32, #tpu.memory_space<hbm>>) target_semaphore(%arg4 : memref<!tpu.dma_semaphore, #tpu.memory_space<semaphore_mem>>)
    %dma_start3A_79 = arith.constant 45000 : i32
    %dma_start3A_80 = arith.constant 10 : i32
    %dma_start3A_81 = arith.constant 0 : i32
    %dma_start3A_82 = tpu.memref_slice %arg3[%dma_start3A_80, %dma_start3A_81] : memref<48x128xf32, #tpu.memory_space<hbm>> -> memref<1x128xf32, #tpu.memory_space<hbm>>
    %dma_start3A_83 = tpu.memref_squeeze %dma_start3A_82 : memref<1x128xf32, #tpu.memory_space<hbm>> -> memref<128xf32, #tpu.memory_space<hbm>>
    %dma_start3A_84 = arith.constant 0 : i32
    %dma_start3A_85 = tpu.memref_slice %arg1[%dma_start3A_79, %dma_start3A_84] : memref<100000x128xf32, #tpu.memory_space<hbm>> -> memref<1x128xf32, #tpu.memory_space<hbm>>
    %dma_start3A_86 = tpu.memref_squeeze %dma_start3A_85 : memref<1x128xf32, #tpu.memory_space<hbm>> -> memref<128xf32, #tpu.memory_space<hbm>>
    tpu.enqueue_dma source(%dma_start3A_86 : memref<128xf32, #tpu.memory_space<hbm>>) target(%dma_start3A_83 : memref<128xf32, #tpu.memory_space<hbm>>) target_semaphore(%arg4 : memref<!tpu.dma_semaphore, #tpu.memory_space<semaphore_mem>>)
    %dma_start3A_87 = arith.constant 54321 : i32
    %dma_start3A_88 = arith.constant 11 : i32
    %dma_start3A_89 = arith.constant 0 : i32
    %dma_start3A_90 = tpu.memref_slice %arg3[%dma_start3A_88, %dma_start3A_89] : memref<48x128xf32, #tpu.memory_space<hbm>> -> memref<1x128xf32, #tpu.memory_space<hbm>>
    %dma_start3A_91 = tpu.memref_squeeze %dma_start3A_90 : memref<1x128xf32, #tpu.memory_space<hbm>> -> memref<128xf32, #tpu.memory_space<hbm>>
    %dma_start3A_92 = arith.constant 0 : i32
    %dma_start3A_93 = tpu.memref_slice %arg2[%dma_start3A_87, %dma_start3A_92] : memref<100000x128xf32, #tpu.memory_space<hbm>> -> memref<1x128xf32, #tpu.memory_space<hbm>>
    %dma_start3A_94 = tpu.memref_squeeze %dma_start3A_93 : memref<1x128xf32, #tpu.memory_space<hbm>> -> memref<128xf32, #tpu.memory_space<hbm>>
    tpu.enqueue_dma source(%dma_start3A_94 : memref<128xf32, #tpu.memory_space<hbm>>) target(%dma_start3A_91 : memref<128xf32, #tpu.memory_space<hbm>>) target_semaphore(%arg4 : memref<!tpu.dma_semaphore, #tpu.memory_space<semaphore_mem>>)
    %dma_start3A_95 = arith.constant 60000 : i32
    %dma_start3A_96 = arith.constant 12 : i32
    %dma_start3A_97 = arith.constant 0 : i32
    %dma_start3A_98 = tpu.memref_slice %arg3[%dma_start3A_96, %dma_start3A_97] : memref<48x128xf32, #tpu.memory_space<hbm>> -> memref<1x128xf32, #tpu.memory_space<hbm>>
    %dma_start3A_99 = tpu.memref_squeeze %dma_start3A_98 : memref<1x128xf32, #tpu.memory_space<hbm>> -> memref<128xf32, #tpu.memory_space<hbm>>
    %dma_start3A_100 = arith.constant 0 : i32
    %dma_start3A_101 = tpu.memref_slice %arg1[%dma_start3A_95, %dma_start3A_100] : memref<100000x128xf32, #tpu.memory_space<hbm>> -> memref<1x128xf32, #tpu.memory_space<hbm>>
    %dma_start3A_102 = tpu.memref_squeeze %dma_start3A_101 : memref<1x128xf32, #tpu.memory_space<hbm>> -> memref<128xf32, #tpu.memory_space<hbm>>
    tpu.enqueue_dma source(%dma_start3A_102 : memref<128xf32, #tpu.memory_space<hbm>>) target(%dma_start3A_99 : memref<128xf32, #tpu.memory_space<hbm>>) target_semaphore(%arg4 : memref<!tpu.dma_semaphore, #tpu.memory_space<semaphore_mem>>)
    %dma_start3A_103 = arith.constant 77777 : i32
    %dma_start3A_104 = arith.constant 13 : i32
    %dma_start3A_105 = arith.constant 0 : i32
    %dma_start3A_106 = tpu.memref_slice %arg3[%dma_start3A_104, %dma_start3A_105] : memref<48x128xf32, #tpu.memory_space<hbm>> -> memref<1x128xf32, #tpu.memory_space<hbm>>
    %dma_start3A_107 = tpu.memref_squeeze %dma_start3A_106 : memref<1x128xf32, #tpu.memory_space<hbm>> -> memref<128xf32, #tpu.memory_space<hbm>>
    %dma_start3A_108 = arith.constant 0 : i32
    %dma_start3A_109 = tpu.memref_slice %arg2[%dma_start3A_103, %dma_start3A_108] : memref<100000x128xf32, #tpu.memory_space<hbm>> -> memref<1x128xf32, #tpu.memory_space<hbm>>
    %dma_start3A_110 = tpu.memref_squeeze %dma_start3A_109 : memref<1x128xf32, #tpu.memory_space<hbm>> -> memref<128xf32, #tpu.memory_space<hbm>>
    tpu.enqueue_dma source(%dma_start3A_110 : memref<128xf32, #tpu.memory_space<hbm>>) target(%dma_start3A_107 : memref<128xf32, #tpu.memory_space<hbm>>) target_semaphore(%arg4 : memref<!tpu.dma_semaphore, #tpu.memory_space<semaphore_mem>>)
    %dma_start3A_111 = arith.constant 88888 : i32
    %dma_start3A_112 = arith.constant 14 : i32
    %dma_start3A_113 = arith.constant 0 : i32
    %dma_start3A_114 = tpu.memref_slice %arg3[%dma_start3A_112, %dma_start3A_113] : memref<48x128xf32, #tpu.memory_space<hbm>> -> memref<1x128xf32, #tpu.memory_space<hbm>>
    %dma_start3A_115 = tpu.memref_squeeze %dma_start3A_114 : memref<1x128xf32, #tpu.memory_space<hbm>> -> memref<128xf32, #tpu.memory_space<hbm>>
    %dma_start3A_116 = arith.constant 0 : i32
    %dma_start3A_117 = tpu.memref_slice %arg1[%dma_start3A_111, %dma_start3A_116] : memref<100000x128xf32, #tpu.memory_space<hbm>> -> memref<1x128xf32, #tpu.memory_space<hbm>>
    %dma_start3A_118 = tpu.memref_squeeze %dma_start3A_117 : memref<1x128xf32, #tpu.memory_space<hbm>> -> memref<128xf32, #tpu.memory_space<hbm>>
    tpu.enqueue_dma source(%dma_start3A_118 : memref<128xf32, #tpu.memory_space<hbm>>) target(%dma_start3A_115 : memref<128xf32, #tpu.memory_space<hbm>>) target_semaphore(%arg4 : memref<!tpu.dma_semaphore, #tpu.memory_space<semaphore_mem>>)
    %dma_start3A_119 = arith.constant 99998 : i32
    %dma_start3A_120 = arith.constant 15 : i32
    %dma_start3A_121 = arith.constant 0 : i32
    %dma_start3A_122 = tpu.memref_slice %arg3[%dma_start3A_120, %dma_start3A_121] : memref<48x128xf32, #tpu.memory_space<hbm>> -> memref<1x128xf32, #tpu.memory_space<hbm>>
    %dma_start3A_123 = tpu.memref_squeeze %dma_start3A_122 : memref<1x128xf32, #tpu.memory_space<hbm>> -> memref<128xf32, #tpu.memory_space<hbm>>
    %dma_start3A_124 = arith.constant 0 : i32
    %dma_start3A_125 = tpu.memref_slice %arg2[%dma_start3A_119, %dma_start3A_124] : memref<100000x128xf32, #tpu.memory_space<hbm>> -> memref<1x128xf32, #tpu.memory_space<hbm>>
    %dma_start3A_126 = tpu.memref_squeeze %dma_start3A_125 : memref<1x128xf32, #tpu.memory_space<hbm>> -> memref<128xf32, #tpu.memory_space<hbm>>
    tpu.enqueue_dma source(%dma_start3A_126 : memref<128xf32, #tpu.memory_space<hbm>>) target(%dma_start3A_123 : memref<128xf32, #tpu.memory_space<hbm>>) target_semaphore(%arg4 : memref<!tpu.dma_semaphore, #tpu.memory_space<semaphore_mem>>)
    %dma_start3A_127 = arith.constant 3 : i32
    %dma_start3A_128 = arith.constant 16 : i32
    %dma_start3A_129 = arith.constant 0 : i32
    %dma_start3A_130 = tpu.memref_slice %arg3[%dma_start3A_128, %dma_start3A_129] : memref<48x128xf32, #tpu.memory_space<hbm>> -> memref<1x128xf32, #tpu.memory_space<hbm>>
    %dma_start3A_131 = tpu.memref_squeeze %dma_start3A_130 : memref<1x128xf32, #tpu.memory_space<hbm>> -> memref<128xf32, #tpu.memory_space<hbm>>
    %dma_start3A_132 = arith.constant 0 : i32
    %dma_start3A_133 = tpu.memref_slice %arg2[%dma_start3A_127, %dma_start3A_132] : memref<100000x128xf32, #tpu.memory_space<hbm>> -> memref<1x128xf32, #tpu.memory_space<hbm>>
    %dma_start3A_134 = tpu.memref_squeeze %dma_start3A_133 : memref<1x128xf32, #tpu.memory_space<hbm>> -> memref<128xf32, #tpu.memory_space<hbm>>
    tpu.enqueue_dma source(%dma_start3A_134 : memref<128xf32, #tpu.memory_space<hbm>>) target(%dma_start3A_131 : memref<128xf32, #tpu.memory_space<hbm>>) target_semaphore(%arg4 : memref<!tpu.dma_semaphore, #tpu.memory_space<semaphore_mem>>)
    %dma_start3A_135 = arith.constant 17 : i32
    %dma_start3A_136 = arith.constant 17 : i32
    %dma_start3A_137 = arith.constant 0 : i32
    %dma_start3A_138 = tpu.memref_slice %arg3[%dma_start3A_136, %dma_start3A_137] : memref<48x128xf32, #tpu.memory_space<hbm>> -> memref<1x128xf32, #tpu.memory_space<hbm>>
    %dma_start3A_139 = tpu.memref_squeeze %dma_start3A_138 : memref<1x128xf32, #tpu.memory_space<hbm>> -> memref<128xf32, #tpu.memory_space<hbm>>
    %dma_start3A_140 = arith.constant 0 : i32
    %dma_start3A_141 = tpu.memref_slice %arg1[%dma_start3A_135, %dma_start3A_140] : memref<100000x128xf32, #tpu.memory_space<hbm>> -> memref<1x128xf32, #tpu.memory_space<hbm>>
    %dma_start3A_142 = tpu.memref_squeeze %dma_start3A_141 : memref<1x128xf32, #tpu.memory_space<hbm>> -> memref<128xf32, #tpu.memory_space<hbm>>
    tpu.enqueue_dma source(%dma_start3A_142 : memref<128xf32, #tpu.memory_space<hbm>>) target(%dma_start3A_139 : memref<128xf32, #tpu.memory_space<hbm>>) target_semaphore(%arg4 : memref<!tpu.dma_semaphore, #tpu.memory_space<semaphore_mem>>)
    %dma_start3A_143 = arith.constant 250 : i32
    %dma_start3A_144 = arith.constant 18 : i32
    %dma_start3A_145 = arith.constant 0 : i32
    %dma_start3A_146 = tpu.memref_slice %arg3[%dma_start3A_144, %dma_start3A_145] : memref<48x128xf32, #tpu.memory_space<hbm>> -> memref<1x128xf32, #tpu.memory_space<hbm>>
    %dma_start3A_147 = tpu.memref_squeeze %dma_start3A_146 : memref<1x128xf32, #tpu.memory_space<hbm>> -> memref<128xf32, #tpu.memory_space<hbm>>
    %dma_start3A_148 = arith.constant 0 : i32
    %dma_start3A_149 = tpu.memref_slice %arg2[%dma_start3A_143, %dma_start3A_148] : memref<100000x128xf32, #tpu.memory_space<hbm>> -> memref<1x128xf32, #tpu.memory_space<hbm>>
    %dma_start3A_150 = tpu.memref_squeeze %dma_start3A_149 : memref<1x128xf32, #tpu.memory_space<hbm>> -> memref<128xf32, #tpu.memory_space<hbm>>
    tpu.enqueue_dma source(%dma_start3A_150 : memref<128xf32, #tpu.memory_space<hbm>>) target(%dma_start3A_147 : memref<128xf32, #tpu.memory_space<hbm>>) target_semaphore(%arg4 : memref<!tpu.dma_semaphore, #tpu.memory_space<semaphore_mem>>)
    %dma_start3A_151 = arith.constant 999 : i32
    %dma_start3A_152 = arith.constant 19 : i32
    %dma_start3A_153 = arith.constant 0 : i32
    %dma_start3A_154 = tpu.memref_slice %arg3[%dma_start3A_152, %dma_start3A_153] : memref<48x128xf32, #tpu.memory_space<hbm>> -> memref<1x128xf32, #tpu.memory_space<hbm>>
    %dma_start3A_155 = tpu.memref_squeeze %dma_start3A_154 : memref<1x128xf32, #tpu.memory_space<hbm>> -> memref<128xf32, #tpu.memory_space<hbm>>
    %dma_start3A_156 = arith.constant 0 : i32
    %dma_start3A_157 = tpu.memref_slice %arg1[%dma_start3A_151, %dma_start3A_156] : memref<100000x128xf32, #tpu.memory_space<hbm>> -> memref<1x128xf32, #tpu.memory_space<hbm>>
    %dma_start3A_158 = tpu.memref_squeeze %dma_start3A_157 : memref<1x128xf32, #tpu.memory_space<hbm>> -> memref<128xf32, #tpu.memory_space<hbm>>
    tpu.enqueue_dma source(%dma_start3A_158 : memref<128xf32, #tpu.memory_space<hbm>>) target(%dma_start3A_155 : memref<128xf32, #tpu.memory_space<hbm>>) target_semaphore(%arg4 : memref<!tpu.dma_semaphore, #tpu.memory_space<semaphore_mem>>)
    %dma_start3A_159 = arith.constant 1500 : i32
    %dma_start3A_160 = arith.constant 20 : i32
    %dma_start3A_161 = arith.constant 0 : i32
    %dma_start3A_162 = tpu.memref_slice %arg3[%dma_start3A_160, %dma_start3A_161] : memref<48x128xf32, #tpu.memory_space<hbm>> -> memref<1x128xf32, #tpu.memory_space<hbm>>
    %dma_start3A_163 = tpu.memref_squeeze %dma_start3A_162 : memref<1x128xf32, #tpu.memory_space<hbm>> -> memref<128xf32, #tpu.memory_space<hbm>>
    %dma_start3A_164 = arith.constant 0 : i32
    %dma_start3A_165 = tpu.memref_slice %arg2[%dma_start3A_159, %dma_start3A_164] : memref<100000x128xf32, #tpu.memory_space<hbm>> -> memref<1x128xf32, #tpu.memory_space<hbm>>
    %dma_start3A_166 = tpu.memref_squeeze %dma_start3A_165 : memref<1x128xf32, #tpu.memory_space<hbm>> -> memref<128xf32, #tpu.memory_space<hbm>>
    tpu.enqueue_dma source(%dma_start3A_166 : memref<128xf32, #tpu.memory_space<hbm>>) target(%dma_start3A_163 : memref<128xf32, #tpu.memory_space<hbm>>) target_semaphore(%arg4 : memref<!tpu.dma_semaphore, #tpu.memory_space<semaphore_mem>>)
    %dma_start3A_167 = arith.constant 4096 : i32
    %dma_start3A_168 = arith.constant 21 : i32
    %dma_start3A_169 = arith.constant 0 : i32
    %dma_start3A_170 = tpu.memref_slice %arg3[%dma_start3A_168, %dma_start3A_169] : memref<48x128xf32, #tpu.memory_space<hbm>> -> memref<1x128xf32, #tpu.memory_space<hbm>>
    %dma_start3A_171 = tpu.memref_squeeze %dma_start3A_170 : memref<1x128xf32, #tpu.memory_space<hbm>> -> memref<128xf32, #tpu.memory_space<hbm>>
    %dma_start3A_172 = arith.constant 0 : i32
    %dma_start3A_173 = tpu.memref_slice %arg1[%dma_start3A_167, %dma_start3A_172] : memref<100000x128xf32, #tpu.memory_space<hbm>> -> memref<1x128xf32, #tpu.memory_space<hbm>>
    %dma_start3A_174 = tpu.memref_squeeze %dma_start3A_173 : memref<1x128xf32, #tpu.memory_space<hbm>> -> memref<128xf32, #tpu.memory_space<hbm>>
    tpu.enqueue_dma source(%dma_start3A_174 : memref<128xf32, #tpu.memory_space<hbm>>) target(%dma_start3A_171 : memref<128xf32, #tpu.memory_space<hbm>>) target_semaphore(%arg4 : memref<!tpu.dma_semaphore, #tpu.memory_space<semaphore_mem>>)
    %dma_start3A_175 = arith.constant 7777 : i32
    %dma_start3A_176 = arith.constant 22 : i32
    %dma_start3A_177 = arith.constant 0 : i32
    %dma_start3A_178 = tpu.memref_slice %arg3[%dma_start3A_176, %dma_start3A_177] : memref<48x128xf32, #tpu.memory_space<hbm>> -> memref<1x128xf32, #tpu.memory_space<hbm>>
    %dma_start3A_179 = tpu.memref_squeeze %dma_start3A_178 : memref<1x128xf32, #tpu.memory_space<hbm>> -> memref<128xf32, #tpu.memory_space<hbm>>
    %dma_start3A_180 = arith.constant 0 : i32
    %dma_start3A_181 = tpu.memref_slice %arg2[%dma_start3A_175, %dma_start3A_180] : memref<100000x128xf32, #tpu.memory_space<hbm>> -> memref<1x128xf32, #tpu.memory_space<hbm>>
    %dma_start3A_182 = tpu.memref_squeeze %dma_start3A_181 : memref<1x128xf32, #tpu.memory_space<hbm>> -> memref<128xf32, #tpu.memory_space<hbm>>
    tpu.enqueue_dma source(%dma_start3A_182 : memref<128xf32, #tpu.memory_space<hbm>>) target(%dma_start3A_179 : memref<128xf32, #tpu.memory_space<hbm>>) target_semaphore(%arg4 : memref<!tpu.dma_semaphore, #tpu.memory_space<semaphore_mem>>)
    %dma_start3A_183 = arith.constant 12345 : i32
    %dma_start3A_184 = arith.constant 23 : i32
    %dma_start3A_185 = arith.constant 0 : i32
    %dma_start3A_186 = tpu.memref_slice %arg3[%dma_start3A_184, %dma_start3A_185] : memref<48x128xf32, #tpu.memory_space<hbm>> -> memref<1x128xf32, #tpu.memory_space<hbm>>
    %dma_start3A_187 = tpu.memref_squeeze %dma_start3A_186 : memref<1x128xf32, #tpu.memory_space<hbm>> -> memref<128xf32, #tpu.memory_space<hbm>>
    %dma_start3A_188 = arith.constant 0 : i32
    %dma_start3A_189 = tpu.memref_slice %arg1[%dma_start3A_183, %dma_start3A_188] : memref<100000x128xf32, #tpu.memory_space<hbm>> -> memref<1x128xf32, #tpu.memory_space<hbm>>
    %dma_start3A_190 = tpu.memref_squeeze %dma_start3A_189 : memref<1x128xf32, #tpu.memory_space<hbm>> -> memref<128xf32, #tpu.memory_space<hbm>>
    tpu.enqueue_dma source(%dma_start3A_190 : memref<128xf32, #tpu.memory_space<hbm>>) target(%dma_start3A_187 : memref<128xf32, #tpu.memory_space<hbm>>) target_semaphore(%arg4 : memref<!tpu.dma_semaphore, #tpu.memory_space<semaphore_mem>>)
    %dma_start3A_191 = arith.constant 20000 : i32
    %dma_start3A_192 = arith.constant 24 : i32
    %dma_start3A_193 = arith.constant 0 : i32
    %dma_start3A_194 = tpu.memref_slice %arg3[%dma_start3A_192, %dma_start3A_193] : memref<48x128xf32, #tpu.memory_space<hbm>> -> memref<1x128xf32, #tpu.memory_space<hbm>>
    %dma_start3A_195 = tpu.memref_squeeze %dma_start3A_194 : memref<1x128xf32, #tpu.memory_space<hbm>> -> memref<128xf32, #tpu.memory_space<hbm>>
    %dma_start3A_196 = arith.constant 0 : i32
    %dma_start3A_197 = tpu.memref_slice %arg2[%dma_start3A_191, %dma_start3A_196] : memref<100000x128xf32, #tpu.memory_space<hbm>> -> memref<1x128xf32, #tpu.memory_space<hbm>>
    %dma_start3A_198 = tpu.memref_squeeze %dma_start3A_197 : memref<1x128xf32, #tpu.memory_space<hbm>> -> memref<128xf32, #tpu.memory_space<hbm>>
    tpu.enqueue_dma source(%dma_start3A_198 : memref<128xf32, #tpu.memory_space<hbm>>) target(%dma_start3A_195 : memref<128xf32, #tpu.memory_space<hbm>>) target_semaphore(%arg4 : memref<!tpu.dma_semaphore, #tpu.memory_space<semaphore_mem>>)
    %dma_start3A_199 = arith.constant 33333 : i32
    %dma_start3A_200 = arith.constant 25 : i32
    %dma_start3A_201 = arith.constant 0 : i32
    %dma_start3A_202 = tpu.memref_slice %arg3[%dma_start3A_200, %dma_start3A_201] : memref<48x128xf32, #tpu.memory_space<hbm>> -> memref<1x128xf32, #tpu.memory_space<hbm>>
    %dma_start3A_203 = tpu.memref_squeeze %dma_start3A_202 : memref<1x128xf32, #tpu.memory_space<hbm>> -> memref<128xf32, #tpu.memory_space<hbm>>
    %dma_start3A_204 = arith.constant 0 : i32
    %dma_start3A_205 = tpu.memref_slice %arg1[%dma_start3A_199, %dma_start3A_204] : memref<100000x128xf32, #tpu.memory_space<hbm>> -> memref<1x128xf32, #tpu.memory_space<hbm>>
    %dma_start3A_206 = tpu.memref_squeeze %dma_start3A_205 : memref<1x128xf32, #tpu.memory_space<hbm>> -> memref<128xf32, #tpu.memory_space<hbm>>
    tpu.enqueue_dma source(%dma_start3A_206 : memref<128xf32, #tpu.memory_space<hbm>>) target(%dma_start3A_203 : memref<128xf32, #tpu.memory_space<hbm>>) target_semaphore(%arg4 : memref<!tpu.dma_semaphore, #tpu.memory_space<semaphore_mem>>)
    %dma_start3A_207 = arith.constant 45000 : i32
    %dma_start3A_208 = arith.constant 26 : i32
    %dma_start3A_209 = arith.constant 0 : i32
    %dma_start3A_210 = tpu.memref_slice %arg3[%dma_start3A_208, %dma_start3A_209] : memref<48x128xf32, #tpu.memory_space<hbm>> -> memref<1x128xf32, #tpu.memory_space<hbm>>
    %dma_start3A_211 = tpu.memref_squeeze %dma_start3A_210 : memref<1x128xf32, #tpu.memory_space<hbm>> -> memref<128xf32, #tpu.memory_space<hbm>>
    %dma_start3A_212 = arith.constant 0 : i32
    %dma_start3A_213 = tpu.memref_slice %arg2[%dma_start3A_207, %dma_start3A_212] : memref<100000x128xf32, #tpu.memory_space<hbm>> -> memref<1x128xf32, #tpu.memory_space<hbm>>
    %dma_start3A_214 = tpu.memref_squeeze %dma_start3A_213 : memref<1x128xf32, #tpu.memory_space<hbm>> -> memref<128xf32, #tpu.memory_space<hbm>>
    tpu.enqueue_dma source(%dma_start3A_214 : memref<128xf32, #tpu.memory_space<hbm>>) target(%dma_start3A_211 : memref<128xf32, #tpu.memory_space<hbm>>) target_semaphore(%arg4 : memref<!tpu.dma_semaphore, #tpu.memory_space<semaphore_mem>>)
    %dma_start3A_215 = arith.constant 54321 : i32
    %dma_start3A_216 = arith.constant 27 : i32
    %dma_start3A_217 = arith.constant 0 : i32
    %dma_start3A_218 = tpu.memref_slice %arg3[%dma_start3A_216, %dma_start3A_217] : memref<48x128xf32, #tpu.memory_space<hbm>> -> memref<1x128xf32, #tpu.memory_space<hbm>>
    %dma_start3A_219 = tpu.memref_squeeze %dma_start3A_218 : memref<1x128xf32, #tpu.memory_space<hbm>> -> memref<128xf32, #tpu.memory_space<hbm>>
    %dma_start3A_220 = arith.constant 0 : i32
    %dma_start3A_221 = tpu.memref_slice %arg1[%dma_start3A_215, %dma_start3A_220] : memref<100000x128xf32, #tpu.memory_space<hbm>> -> memref<1x128xf32, #tpu.memory_space<hbm>>
    %dma_start3A_222 = tpu.memref_squeeze %dma_start3A_221 : memref<1x128xf32, #tpu.memory_space<hbm>> -> memref<128xf32, #tpu.memory_space<hbm>>
    tpu.enqueue_dma source(%dma_start3A_222 : memref<128xf32, #tpu.memory_space<hbm>>) target(%dma_start3A_219 : memref<128xf32, #tpu.memory_space<hbm>>) target_semaphore(%arg4 : memref<!tpu.dma_semaphore, #tpu.memory_space<semaphore_mem>>)
    %dma_start3A_223 = arith.constant 60000 : i32
    %dma_start3A_224 = arith.constant 28 : i32
    %dma_start3A_225 = arith.constant 0 : i32
    %dma_start3A_226 = tpu.memref_slice %arg3[%dma_start3A_224, %dma_start3A_225] : memref<48x128xf32, #tpu.memory_space<hbm>> -> memref<1x128xf32, #tpu.memory_space<hbm>>
    %dma_start3A_227 = tpu.memref_squeeze %dma_start3A_226 : memref<1x128xf32, #tpu.memory_space<hbm>> -> memref<128xf32, #tpu.memory_space<hbm>>
    %dma_start3A_228 = arith.constant 0 : i32
    %dma_start3A_229 = tpu.memref_slice %arg2[%dma_start3A_223, %dma_start3A_228] : memref<100000x128xf32, #tpu.memory_space<hbm>> -> memref<1x128xf32, #tpu.memory_space<hbm>>
    %dma_start3A_230 = tpu.memref_squeeze %dma_start3A_229 : memref<1x128xf32, #tpu.memory_space<hbm>> -> memref<128xf32, #tpu.memory_space<hbm>>
    tpu.enqueue_dma source(%dma_start3A_230 : memref<128xf32, #tpu.memory_space<hbm>>) target(%dma_start3A_227 : memref<128xf32, #tpu.memory_space<hbm>>) target_semaphore(%arg4 : memref<!tpu.dma_semaphore, #tpu.memory_space<semaphore_mem>>)
    %dma_start3A_231 = arith.constant 77777 : i32
    %dma_start3A_232 = arith.constant 29 : i32
    %dma_start3A_233 = arith.constant 0 : i32
    %dma_start3A_234 = tpu.memref_slice %arg3[%dma_start3A_232, %dma_start3A_233] : memref<48x128xf32, #tpu.memory_space<hbm>> -> memref<1x128xf32, #tpu.memory_space<hbm>>
    %dma_start3A_235 = tpu.memref_squeeze %dma_start3A_234 : memref<1x128xf32, #tpu.memory_space<hbm>> -> memref<128xf32, #tpu.memory_space<hbm>>
    %dma_start3A_236 = arith.constant 0 : i32
    %dma_start3A_237 = tpu.memref_slice %arg1[%dma_start3A_231, %dma_start3A_236] : memref<100000x128xf32, #tpu.memory_space<hbm>> -> memref<1x128xf32, #tpu.memory_space<hbm>>
    %dma_start3A_238 = tpu.memref_squeeze %dma_start3A_237 : memref<1x128xf32, #tpu.memory_space<hbm>> -> memref<128xf32, #tpu.memory_space<hbm>>
    tpu.enqueue_dma source(%dma_start3A_238 : memref<128xf32, #tpu.memory_space<hbm>>) target(%dma_start3A_235 : memref<128xf32, #tpu.memory_space<hbm>>) target_semaphore(%arg4 : memref<!tpu.dma_semaphore, #tpu.memory_space<semaphore_mem>>)
    %dma_start3A_239 = arith.constant 88888 : i32
    %dma_start3A_240 = arith.constant 30 : i32
    %dma_start3A_241 = arith.constant 0 : i32
    %dma_start3A_242 = tpu.memref_slice %arg3[%dma_start3A_240, %dma_start3A_241] : memref<48x128xf32, #tpu.memory_space<hbm>> -> memref<1x128xf32, #tpu.memory_space<hbm>>
    %dma_start3A_243 = tpu.memref_squeeze %dma_start3A_242 : memref<1x128xf32, #tpu.memory_space<hbm>> -> memref<128xf32, #tpu.memory_space<hbm>>
    %dma_start3A_244 = arith.constant 0 : i32
    %dma_start3A_245 = tpu.memref_slice %arg2[%dma_start3A_239, %dma_start3A_244] : memref<100000x128xf32, #tpu.memory_space<hbm>> -> memref<1x128xf32, #tpu.memory_space<hbm>>
    %dma_start3A_246 = tpu.memref_squeeze %dma_start3A_245 : memref<1x128xf32, #tpu.memory_space<hbm>> -> memref<128xf32, #tpu.memory_space<hbm>>
    tpu.enqueue_dma source(%dma_start3A_246 : memref<128xf32, #tpu.memory_space<hbm>>) target(%dma_start3A_243 : memref<128xf32, #tpu.memory_space<hbm>>) target_semaphore(%arg4 : memref<!tpu.dma_semaphore, #tpu.memory_space<semaphore_mem>>)
    %dma_start3A_247 = arith.constant 99998 : i32
    %dma_start3A_248 = arith.constant 31 : i32
    %dma_start3A_249 = arith.constant 0 : i32
    %dma_start3A_250 = tpu.memref_slice %arg3[%dma_start3A_248, %dma_start3A_249] : memref<48x128xf32, #tpu.memory_space<hbm>> -> memref<1x128xf32, #tpu.memory_space<hbm>>
    %dma_start3A_251 = tpu.memref_squeeze %dma_start3A_250 : memref<1x128xf32, #tpu.memory_space<hbm>> -> memref<128xf32, #tpu.memory_space<hbm>>
    %dma_start3A_252 = arith.constant 0 : i32
    %dma_start3A_253 = tpu.memref_slice %arg1[%dma_start3A_247, %dma_start3A_252] : memref<100000x128xf32, #tpu.memory_space<hbm>> -> memref<1x128xf32, #tpu.memory_space<hbm>>
    %dma_start3A_254 = tpu.memref_squeeze %dma_start3A_253 : memref<1x128xf32, #tpu.memory_space<hbm>> -> memref<128xf32, #tpu.memory_space<hbm>>
    tpu.enqueue_dma source(%dma_start3A_254 : memref<128xf32, #tpu.memory_space<hbm>>) target(%dma_start3A_251 : memref<128xf32, #tpu.memory_space<hbm>>) target_semaphore(%arg4 : memref<!tpu.dma_semaphore, #tpu.memory_space<semaphore_mem>>)
    %dma_start3A_255 = arith.constant 3 : i32
    %dma_start3A_256 = arith.constant 32 : i32
    %dma_start3A_257 = arith.constant 0 : i32
    %dma_start3A_258 = tpu.memref_slice %arg3[%dma_start3A_256, %dma_start3A_257] : memref<48x128xf32, #tpu.memory_space<hbm>> -> memref<1x128xf32, #tpu.memory_space<hbm>>
    %dma_start3A_259 = tpu.memref_squeeze %dma_start3A_258 : memref<1x128xf32, #tpu.memory_space<hbm>> -> memref<128xf32, #tpu.memory_space<hbm>>
    %dma_start3A_260 = arith.constant 0 : i32
    %dma_start3A_261 = tpu.memref_slice %arg1[%dma_start3A_255, %dma_start3A_260] : memref<100000x128xf32, #tpu.memory_space<hbm>> -> memref<1x128xf32, #tpu.memory_space<hbm>>
    %dma_start3A_262 = tpu.memref_squeeze %dma_start3A_261 : memref<1x128xf32, #tpu.memory_space<hbm>> -> memref<128xf32, #tpu.memory_space<hbm>>
    tpu.enqueue_dma source(%dma_start3A_262 : memref<128xf32, #tpu.memory_space<hbm>>) target(%dma_start3A_259 : memref<128xf32, #tpu.memory_space<hbm>>) target_semaphore(%arg4 : memref<!tpu.dma_semaphore, #tpu.memory_space<semaphore_mem>>)
    %dma_start3A_263 = arith.constant 99998 : i32
    %dma_start3A_264 = arith.constant 33 : i32
    %dma_start3A_265 = arith.constant 0 : i32
    %dma_start3A_266 = tpu.memref_slice %arg3[%dma_start3A_264, %dma_start3A_265] : memref<48x128xf32, #tpu.memory_space<hbm>> -> memref<1x128xf32, #tpu.memory_space<hbm>>
    %dma_start3A_267 = tpu.memref_squeeze %dma_start3A_266 : memref<1x128xf32, #tpu.memory_space<hbm>> -> memref<128xf32, #tpu.memory_space<hbm>>
    %dma_start3A_268 = arith.constant 0 : i32
    %dma_start3A_269 = tpu.memref_slice %arg1[%dma_start3A_263, %dma_start3A_268] : memref<100000x128xf32, #tpu.memory_space<hbm>> -> memref<1x128xf32, #tpu.memory_space<hbm>>
    %dma_start3A_270 = tpu.memref_squeeze %dma_start3A_269 : memref<1x128xf32, #tpu.memory_space<hbm>> -> memref<128xf32, #tpu.memory_space<hbm>>
    tpu.enqueue_dma source(%dma_start3A_270 : memref<128xf32, #tpu.memory_space<hbm>>) target(%dma_start3A_267 : memref<128xf32, #tpu.memory_space<hbm>>) target_semaphore(%arg4 : memref<!tpu.dma_semaphore, #tpu.memory_space<semaphore_mem>>)
    %dma_start3A_271 = arith.constant 17 : i32
    %dma_start3A_272 = arith.constant 34 : i32
    %dma_start3A_273 = arith.constant 0 : i32
    %dma_start3A_274 = tpu.memref_slice %arg3[%dma_start3A_272, %dma_start3A_273] : memref<48x128xf32, #tpu.memory_space<hbm>> -> memref<1x128xf32, #tpu.memory_space<hbm>>
    %dma_start3A_275 = tpu.memref_squeeze %dma_start3A_274 : memref<1x128xf32, #tpu.memory_space<hbm>> -> memref<128xf32, #tpu.memory_space<hbm>>
    %dma_start3A_276 = arith.constant 0 : i32
    %dma_start3A_277 = tpu.memref_slice %arg2[%dma_start3A_271, %dma_start3A_276] : memref<100000x128xf32, #tpu.memory_space<hbm>> -> memref<1x128xf32, #tpu.memory_space<hbm>>
    %dma_start3A_278 = tpu.memref_squeeze %dma_start3A_277 : memref<1x128xf32, #tpu.memory_space<hbm>> -> memref<128xf32, #tpu.memory_space<hbm>>
    tpu.enqueue_dma source(%dma_start3A_278 : memref<128xf32, #tpu.memory_space<hbm>>) target(%dma_start3A_275 : memref<128xf32, #tpu.memory_space<hbm>>) target_semaphore(%arg4 : memref<!tpu.dma_semaphore, #tpu.memory_space<semaphore_mem>>)
    %dma_start3A_279 = arith.constant 88888 : i32
    %dma_start3A_280 = arith.constant 35 : i32
    %dma_start3A_281 = arith.constant 0 : i32
    %dma_start3A_282 = tpu.memref_slice %arg3[%dma_start3A_280, %dma_start3A_281] : memref<48x128xf32, #tpu.memory_space<hbm>> -> memref<1x128xf32, #tpu.memory_space<hbm>>
    %dma_start3A_283 = tpu.memref_squeeze %dma_start3A_282 : memref<1x128xf32, #tpu.memory_space<hbm>> -> memref<128xf32, #tpu.memory_space<hbm>>
    %dma_start3A_284 = arith.constant 0 : i32
    %dma_start3A_285 = tpu.memref_slice %arg2[%dma_start3A_279, %dma_start3A_284] : memref<100000x128xf32, #tpu.memory_space<hbm>> -> memref<1x128xf32, #tpu.memory_space<hbm>>
    %dma_start3A_286 = tpu.memref_squeeze %dma_start3A_285 : memref<1x128xf32, #tpu.memory_space<hbm>> -> memref<128xf32, #tpu.memory_space<hbm>>
    tpu.enqueue_dma source(%dma_start3A_286 : memref<128xf32, #tpu.memory_space<hbm>>) target(%dma_start3A_283 : memref<128xf32, #tpu.memory_space<hbm>>) target_semaphore(%arg4 : memref<!tpu.dma_semaphore, #tpu.memory_space<semaphore_mem>>)
    %dma_start3A_287 = arith.constant 250 : i32
    %dma_start3A_288 = arith.constant 36 : i32
    %dma_start3A_289 = arith.constant 0 : i32
    %dma_start3A_290 = tpu.memref_slice %arg3[%dma_start3A_288, %dma_start3A_289] : memref<48x128xf32, #tpu.memory_space<hbm>> -> memref<1x128xf32, #tpu.memory_space<hbm>>
    %dma_start3A_291 = tpu.memref_squeeze %dma_start3A_290 : memref<1x128xf32, #tpu.memory_space<hbm>> -> memref<128xf32, #tpu.memory_space<hbm>>
    %dma_start3A_292 = arith.constant 0 : i32
    %dma_start3A_293 = tpu.memref_slice %arg1[%dma_start3A_287, %dma_start3A_292] : memref<100000x128xf32, #tpu.memory_space<hbm>> -> memref<1x128xf32, #tpu.memory_space<hbm>>
    %dma_start3A_294 = tpu.memref_squeeze %dma_start3A_293 : memref<1x128xf32, #tpu.memory_space<hbm>> -> memref<128xf32, #tpu.memory_space<hbm>>
    tpu.enqueue_dma source(%dma_start3A_294 : memref<128xf32, #tpu.memory_space<hbm>>) target(%dma_start3A_291 : memref<128xf32, #tpu.memory_space<hbm>>) target_semaphore(%arg4 : memref<!tpu.dma_semaphore, #tpu.memory_space<semaphore_mem>>)
    %dma_start3A_295 = arith.constant 77777 : i32
    %dma_start3A_296 = arith.constant 37 : i32
    %dma_start3A_297 = arith.constant 0 : i32
    %dma_start3A_298 = tpu.memref_slice %arg3[%dma_start3A_296, %dma_start3A_297] : memref<48x128xf32, #tpu.memory_space<hbm>> -> memref<1x128xf32, #tpu.memory_space<hbm>>
    %dma_start3A_299 = tpu.memref_squeeze %dma_start3A_298 : memref<1x128xf32, #tpu.memory_space<hbm>> -> memref<128xf32, #tpu.memory_space<hbm>>
    %dma_start3A_300 = arith.constant 0 : i32
    %dma_start3A_301 = tpu.memref_slice %arg1[%dma_start3A_295, %dma_start3A_300] : memref<100000x128xf32, #tpu.memory_space<hbm>> -> memref<1x128xf32, #tpu.memory_space<hbm>>
    %dma_start3A_302 = tpu.memref_squeeze %dma_start3A_301 : memref<1x128xf32, #tpu.memory_space<hbm>> -> memref<128xf32, #tpu.memory_space<hbm>>
    tpu.enqueue_dma source(%dma_start3A_302 : memref<128xf32, #tpu.memory_space<hbm>>) target(%dma_start3A_299 : memref<128xf32, #tpu.memory_space<hbm>>) target_semaphore(%arg4 : memref<!tpu.dma_semaphore, #tpu.memory_space<semaphore_mem>>)
    %dma_start3A_303 = arith.constant 999 : i32
    %dma_start3A_304 = arith.constant 38 : i32
    %dma_start3A_305 = arith.constant 0 : i32
    %dma_start3A_306 = tpu.memref_slice %arg3[%dma_start3A_304, %dma_start3A_305] : memref<48x128xf32, #tpu.memory_space<hbm>> -> memref<1x128xf32, #tpu.memory_space<hbm>>
    %dma_start3A_307 = tpu.memref_squeeze %dma_start3A_306 : memref<1x128xf32, #tpu.memory_space<hbm>> -> memref<128xf32, #tpu.memory_space<hbm>>
    %dma_start3A_308 = arith.constant 0 : i32
    %dma_start3A_309 = tpu.memref_slice %arg2[%dma_start3A_303, %dma_start3A_308] : memref<100000x128xf32, #tpu.memory_space<hbm>> -> memref<1x128xf32, #tpu.memory_space<hbm>>
    %dma_start3A_310 = tpu.memref_squeeze %dma_start3A_309 : memref<1x128xf32, #tpu.memory_space<hbm>> -> memref<128xf32, #tpu.memory_space<hbm>>
    tpu.enqueue_dma source(%dma_start3A_310 : memref<128xf32, #tpu.memory_space<hbm>>) target(%dma_start3A_307 : memref<128xf32, #tpu.memory_space<hbm>>) target_semaphore(%arg4 : memref<!tpu.dma_semaphore, #tpu.memory_space<semaphore_mem>>)
    %dma_start3A_311 = arith.constant 60000 : i32
    %dma_start3A_312 = arith.constant 39 : i32
    %dma_start3A_313 = arith.constant 0 : i32
    %dma_start3A_314 = tpu.memref_slice %arg3[%dma_start3A_312, %dma_start3A_313] : memref<48x128xf32, #tpu.memory_space<hbm>> -> memref<1x128xf32, #tpu.memory_space<hbm>>
    %dma_start3A_315 = tpu.memref_squeeze %dma_start3A_314 : memref<1x128xf32, #tpu.memory_space<hbm>> -> memref<128xf32, #tpu.memory_space<hbm>>
    %dma_start3A_316 = arith.constant 0 : i32
    %dma_start3A_317 = tpu.memref_slice %arg2[%dma_start3A_311, %dma_start3A_316] : memref<100000x128xf32, #tpu.memory_space<hbm>> -> memref<1x128xf32, #tpu.memory_space<hbm>>
    %dma_start3A_318 = tpu.memref_squeeze %dma_start3A_317 : memref<1x128xf32, #tpu.memory_space<hbm>> -> memref<128xf32, #tpu.memory_space<hbm>>
    tpu.enqueue_dma source(%dma_start3A_318 : memref<128xf32, #tpu.memory_space<hbm>>) target(%dma_start3A_315 : memref<128xf32, #tpu.memory_space<hbm>>) target_semaphore(%arg4 : memref<!tpu.dma_semaphore, #tpu.memory_space<semaphore_mem>>)
    %dma_start3A_319 = arith.constant 1500 : i32
    %dma_start3A_320 = arith.constant 40 : i32
    %dma_start3A_321 = arith.constant 0 : i32
    %dma_start3A_322 = tpu.memref_slice %arg3[%dma_start3A_320, %dma_start3A_321] : memref<48x128xf32, #tpu.memory_space<hbm>> -> memref<1x128xf32, #tpu.memory_space<hbm>>
    %dma_start3A_323 = tpu.memref_squeeze %dma_start3A_322 : memref<1x128xf32, #tpu.memory_space<hbm>> -> memref<128xf32, #tpu.memory_space<hbm>>
    %dma_start3A_324 = arith.constant 0 : i32
    %dma_start3A_325 = tpu.memref_slice %arg1[%dma_start3A_319, %dma_start3A_324] : memref<100000x128xf32, #tpu.memory_space<hbm>> -> memref<1x128xf32, #tpu.memory_space<hbm>>
    %dma_start3A_326 = tpu.memref_squeeze %dma_start3A_325 : memref<1x128xf32, #tpu.memory_space<hbm>> -> memref<128xf32, #tpu.memory_space<hbm>>
    tpu.enqueue_dma source(%dma_start3A_326 : memref<128xf32, #tpu.memory_space<hbm>>) target(%dma_start3A_323 : memref<128xf32, #tpu.memory_space<hbm>>) target_semaphore(%arg4 : memref<!tpu.dma_semaphore, #tpu.memory_space<semaphore_mem>>)
    %dma_start3A_327 = arith.constant 54321 : i32
    %dma_start3A_328 = arith.constant 41 : i32
    %dma_start3A_329 = arith.constant 0 : i32
    %dma_start3A_330 = tpu.memref_slice %arg3[%dma_start3A_328, %dma_start3A_329] : memref<48x128xf32, #tpu.memory_space<hbm>> -> memref<1x128xf32, #tpu.memory_space<hbm>>
    %dma_start3A_331 = tpu.memref_squeeze %dma_start3A_330 : memref<1x128xf32, #tpu.memory_space<hbm>> -> memref<128xf32, #tpu.memory_space<hbm>>
    %dma_start3A_332 = arith.constant 0 : i32
    %dma_start3A_333 = tpu.memref_slice %arg1[%dma_start3A_327, %dma_start3A_332] : memref<100000x128xf32, #tpu.memory_space<hbm>> -> memref<1x128xf32, #tpu.memory_space<hbm>>
    %dma_start3A_334 = tpu.memref_squeeze %dma_start3A_333 : memref<1x128xf32, #tpu.memory_space<hbm>> -> memref<128xf32, #tpu.memory_space<hbm>>
    tpu.enqueue_dma source(%dma_start3A_334 : memref<128xf32, #tpu.memory_space<hbm>>) target(%dma_start3A_331 : memref<128xf32, #tpu.memory_space<hbm>>) target_semaphore(%arg4 : memref<!tpu.dma_semaphore, #tpu.memory_space<semaphore_mem>>)
    %dma_start3A_335 = arith.constant 4096 : i32
    %dma_start3A_336 = arith.constant 42 : i32
    %dma_start3A_337 = arith.constant 0 : i32
    %dma_start3A_338 = tpu.memref_slice %arg3[%dma_start3A_336, %dma_start3A_337] : memref<48x128xf32, #tpu.memory_space<hbm>> -> memref<1x128xf32, #tpu.memory_space<hbm>>
    %dma_start3A_339 = tpu.memref_squeeze %dma_start3A_338 : memref<1x128xf32, #tpu.memory_space<hbm>> -> memref<128xf32, #tpu.memory_space<hbm>>
    %dma_start3A_340 = arith.constant 0 : i32
    %dma_start3A_341 = tpu.memref_slice %arg2[%dma_start3A_335, %dma_start3A_340] : memref<100000x128xf32, #tpu.memory_space<hbm>> -> memref<1x128xf32, #tpu.memory_space<hbm>>
    %dma_start3A_342 = tpu.memref_squeeze %dma_start3A_341 : memref<1x128xf32, #tpu.memory_space<hbm>> -> memref<128xf32, #tpu.memory_space<hbm>>
    tpu.enqueue_dma source(%dma_start3A_342 : memref<128xf32, #tpu.memory_space<hbm>>) target(%dma_start3A_339 : memref<128xf32, #tpu.memory_space<hbm>>) target_semaphore(%arg4 : memref<!tpu.dma_semaphore, #tpu.memory_space<semaphore_mem>>)
    %dma_start3A_343 = arith.constant 45000 : i32
    %dma_start3A_344 = arith.constant 43 : i32
    %dma_start3A_345 = arith.constant 0 : i32
    %dma_start3A_346 = tpu.memref_slice %arg3[%dma_start3A_344, %dma_start3A_345] : memref<48x128xf32, #tpu.memory_space<hbm>> -> memref<1x128xf32, #tpu.memory_space<hbm>>
    %dma_start3A_347 = tpu.memref_squeeze %dma_start3A_346 : memref<1x128xf32, #tpu.memory_space<hbm>> -> memref<128xf32, #tpu.memory_space<hbm>>
    %dma_start3A_348 = arith.constant 0 : i32
    %dma_start3A_349 = tpu.memref_slice %arg2[%dma_start3A_343, %dma_start3A_348] : memref<100000x128xf32, #tpu.memory_space<hbm>> -> memref<1x128xf32, #tpu.memory_space<hbm>>
    %dma_start3A_350 = tpu.memref_squeeze %dma_start3A_349 : memref<1x128xf32, #tpu.memory_space<hbm>> -> memref<128xf32, #tpu.memory_space<hbm>>
    tpu.enqueue_dma source(%dma_start3A_350 : memref<128xf32, #tpu.memory_space<hbm>>) target(%dma_start3A_347 : memref<128xf32, #tpu.memory_space<hbm>>) target_semaphore(%arg4 : memref<!tpu.dma_semaphore, #tpu.memory_space<semaphore_mem>>)
    %dma_start3A_351 = arith.constant 7777 : i32
    %dma_start3A_352 = arith.constant 44 : i32
    %dma_start3A_353 = arith.constant 0 : i32
    %dma_start3A_354 = tpu.memref_slice %arg3[%dma_start3A_352, %dma_start3A_353] : memref<48x128xf32, #tpu.memory_space<hbm>> -> memref<1x128xf32, #tpu.memory_space<hbm>>
    %dma_start3A_355 = tpu.memref_squeeze %dma_start3A_354 : memref<1x128xf32, #tpu.memory_space<hbm>> -> memref<128xf32, #tpu.memory_space<hbm>>
    %dma_start3A_356 = arith.constant 0 : i32
    %dma_start3A_357 = tpu.memref_slice %arg1[%dma_start3A_351, %dma_start3A_356] : memref<100000x128xf32, #tpu.memory_space<hbm>> -> memref<1x128xf32, #tpu.memory_space<hbm>>
    %dma_start3A_358 = tpu.memref_squeeze %dma_start3A_357 : memref<1x128xf32, #tpu.memory_space<hbm>> -> memref<128xf32, #tpu.memory_space<hbm>>
    tpu.enqueue_dma source(%dma_start3A_358 : memref<128xf32, #tpu.memory_space<hbm>>) target(%dma_start3A_355 : memref<128xf32, #tpu.memory_space<hbm>>) target_semaphore(%arg4 : memref<!tpu.dma_semaphore, #tpu.memory_space<semaphore_mem>>)
    %dma_start3A_359 = arith.constant 33333 : i32
    %dma_start3A_360 = arith.constant 45 : i32
    %dma_start3A_361 = arith.constant 0 : i32
    %dma_start3A_362 = tpu.memref_slice %arg3[%dma_start3A_360, %dma_start3A_361] : memref<48x128xf32, #tpu.memory_space<hbm>> -> memref<1x128xf32, #tpu.memory_space<hbm>>
    %dma_start3A_363 = tpu.memref_squeeze %dma_start3A_362 : memref<1x128xf32, #tpu.memory_space<hbm>> -> memref<128xf32, #tpu.memory_space<hbm>>
    %dma_start3A_364 = arith.constant 0 : i32
    %dma_start3A_365 = tpu.memref_slice %arg1[%dma_start3A_359, %dma_start3A_364] : memref<100000x128xf32, #tpu.memory_space<hbm>> -> memref<1x128xf32, #tpu.memory_space<hbm>>
    %dma_start3A_366 = tpu.memref_squeeze %dma_start3A_365 : memref<1x128xf32, #tpu.memory_space<hbm>> -> memref<128xf32, #tpu.memory_space<hbm>>
    tpu.enqueue_dma source(%dma_start3A_366 : memref<128xf32, #tpu.memory_space<hbm>>) target(%dma_start3A_363 : memref<128xf32, #tpu.memory_space<hbm>>) target_semaphore(%arg4 : memref<!tpu.dma_semaphore, #tpu.memory_space<semaphore_mem>>)
    %dma_start3A_367 = arith.constant 12345 : i32
    %dma_start3A_368 = arith.constant 46 : i32
    %dma_start3A_369 = arith.constant 0 : i32
    %dma_start3A_370 = tpu.memref_slice %arg3[%dma_start3A_368, %dma_start3A_369] : memref<48x128xf32, #tpu.memory_space<hbm>> -> memref<1x128xf32, #tpu.memory_space<hbm>>
    %dma_start3A_371 = tpu.memref_squeeze %dma_start3A_370 : memref<1x128xf32, #tpu.memory_space<hbm>> -> memref<128xf32, #tpu.memory_space<hbm>>
    %dma_start3A_372 = arith.constant 0 : i32
    %dma_start3A_373 = tpu.memref_slice %arg2[%dma_start3A_367, %dma_start3A_372] : memref<100000x128xf32, #tpu.memory_space<hbm>> -> memref<1x128xf32, #tpu.memory_space<hbm>>
    %dma_start3A_374 = tpu.memref_squeeze %dma_start3A_373 : memref<1x128xf32, #tpu.memory_space<hbm>> -> memref<128xf32, #tpu.memory_space<hbm>>
    tpu.enqueue_dma source(%dma_start3A_374 : memref<128xf32, #tpu.memory_space<hbm>>) target(%dma_start3A_371 : memref<128xf32, #tpu.memory_space<hbm>>) target_semaphore(%arg4 : memref<!tpu.dma_semaphore, #tpu.memory_space<semaphore_mem>>)
    %dma_start3A_375 = arith.constant 20000 : i32
    %dma_start3A_376 = arith.constant 47 : i32
    %dma_start3A_377 = arith.constant 0 : i32
    %dma_start3A_378 = tpu.memref_slice %arg3[%dma_start3A_376, %dma_start3A_377] : memref<48x128xf32, #tpu.memory_space<hbm>> -> memref<1x128xf32, #tpu.memory_space<hbm>>
    %dma_start3A_379 = tpu.memref_squeeze %dma_start3A_378 : memref<1x128xf32, #tpu.memory_space<hbm>> -> memref<128xf32, #tpu.memory_space<hbm>>
    %dma_start3A_380 = arith.constant 0 : i32
    %dma_start3A_381 = tpu.memref_slice %arg2[%dma_start3A_375, %dma_start3A_380] : memref<100000x128xf32, #tpu.memory_space<hbm>> -> memref<1x128xf32, #tpu.memory_space<hbm>>
    %dma_start3A_382 = tpu.memref_squeeze %dma_start3A_381 : memref<1x128xf32, #tpu.memory_space<hbm>> -> memref<128xf32, #tpu.memory_space<hbm>>
    tpu.enqueue_dma source(%dma_start3A_382 : memref<128xf32, #tpu.memory_space<hbm>>) target(%dma_start3A_379 : memref<128xf32, #tpu.memory_space<hbm>>) target_semaphore(%arg4 : memref<!tpu.dma_semaphore, #tpu.memory_space<semaphore_mem>>)
    %dma_wait3A = arith.constant 0 : i32
    %dma_wait3A_383 = arith.constant 0 : i32
    %dma_wait3A_384 = tpu.memref_slice %arg1[%dma_wait3A, %dma_wait3A_383] : memref<100000x128xf32, #tpu.memory_space<hbm>> -> memref<48x128xf32, #tpu.memory_space<hbm>>
    tpu.wait_dma2 semaphore(%arg4 : memref<!tpu.dma_semaphore, #tpu.memory_space<semaphore_mem>>) src(%dma_wait3A_384 : memref<48x128xf32, #tpu.memory_space<hbm>>) dst(%arg3 : memref<48x128xf32, #tpu.memory_space<hbm>>)
    return
  }
}

</mosaic_0001>

<sc_bundles>
// kernel: kernel.3.cloned.1.call-start
scs
__scs_entry_jumppad:
0x0: {  	(pc) =	sbr.rel $0x88, $3  }
0x1: {  	(tag) =	ssettag $0x0;
	lr =	simm.s32 $0x1  }
0x2: {  	[smem:$0x3F9F] =	sst lr;
	_ =	strace $0xD0000000  }
0x3: {  	_ = 	snop  }
0x4: {  	_ = 	snop  }
0x5: {  	_ = 	snop  }
0x6: {  	_ = 	snop  }
0x7: {  	_ = 	snop  }
__scs_overlays_trampoline_lowered:
0x8: {  	[smem:$0x3FAE] =	sst s0  }
0x9: {  	[smem:$0x3FAF] =	sst s1  }
0xa: {  	[smem:$0x3FB0] =	sst s2  }
0xb: {  	[smem:$0x3FB1] =	sst s3  }
0xc: {  	[smem:$0x3FB2] =	sst s4  }
0xd: {  	[smem:$0x3FB3] =	sst s5  }
0xe: {  	[smem:$0x3FB4] =	sst s6  }
0xf: {  	[smem:$0x3FB5] =	sst s7  }
0x10: {  	[smem:$0x3FB6] =	sst s8  }
0x11: {  	[smem:$0x3FB7] =	sst s9;
	s0 =	simm.s32 @!p0 $0x0  }
0x12: {  	s1 =	sld [smem:$0x3F9D];
	s0 =	simm.s32 @p0 $0x1  }
0x13: {  	[smem:$0x3FB8] =	sst s0;
	s0 =	simm.s32 @!p1 $0x0  }
0x14: {  	s2 =	sld [smem:$0x3F9C];
	s0 =	simm.s32 @p1 $0x1  }
0x15: {  	[smem:$0x3FB9] =	sst s0;
	s0 =	simm.s32 @!p2 $0x0  }
0x16: {  	s3 =	sld [smem:$0x3FDB];
	s0 =	simm.s32 @p2 $0x1  }
0x17: {  	s4 =	simm.s32 $0x1BF5;
	[smem:$0x3FBB] =	sst s0  }
0x18: {  	s0 =	sld [smem:$0x3F9E];
	_ =	swait.ge [sflag:s4], $0x0  }
0x19: {  	s7 =	sld [smem:$0x3F9F]  }
0x1a: {  	s8 =	sadd.s32 $0xFFFFE003, lr  }
0x1b: {  	s9 =	sadd.s32 $0xFFFFFEF7, lr;
	s5 =	simm.s32 $0xFFFFFFFF;
	p2 =	slt.u32 s8, $0xFFFFF086  }
0x1c: {  	p1 =	slt.u32 s9, $0xF7A;
	s5 =	simm.s32 @!p2 $0x0  }
0x1d: {  	s5 =	simm.s32 @p1 $0x1;
	p0 =	seq.s32 s7, s2  }
0x1e: {  	s7 =	smul.u32 @!p0 $0xF7A, s2;
	p2 =	seq.s32 @!p0 s5, $0x0  }
0x1f: {  	s9 =	smul.u32 $0xF7A, s1;
	s8 =	simm.s32 @!p0 $0x1BF5;
	p2 =	por !p2, p0  }
0x20: {  	[sflag:s8] =	ssyncset.s32 @!p0 $0xFFFFF086;
	s6 =	sadd.s32 @!p0 s3, s7;
	s7 =	simm.s32 @!p0 $0x108  }
0x21: {  	s3 =	sadd.s32 s3, s9;
	s6 =	sadd.s32 @!p0 $0x88, s6;
	s7 =	simm.s32 @p2 $0x1082  }
0x22: {  	[simem:s7], [sflag:s8] =	dma.local @!p0 [hbm:s6], $0xF7A  }
0x23: {  	s9 =	sor.u32 $0xD0000000, s2;
	s6 =	simm.s32 $0x108;
	_ =	swait.ge @!p0 [sflag:s8], $0x0  }
0x24: {  	s3 =	sadd.s32 $0x88, s3;
	s6 =	simm.s32 @!p1 $0x1082;
	[sflag:s4] =	ssyncset.s32 $0xFFFFF086  }
0x25: {  	[simem:s6], [sflag:s4] =	dma.local [hbm:s3], $0xF7A  }
0x26: {  	[smem:$0x3F9F] =	sst s1;
	(tag) =	ssettag s2;
	_ =	strace s9  }
0x27: {  	s1 =	sld [smem:$0x3FAF]  }
0x28: {  	s2 =	sld [smem:$0x3FB0]  }
0x29: {  	s4 =	sld [smem:$0x3FB2]  }
0x2a: {  	p0 =	seq.s32 s5, $0x0;
	s5 =	sld [smem:$0x3FB3]  }
0x2b: {  	s6 =	sld [smem:$0x3FB4]  }
0x2c: {  	s7 =	sld [smem:$0x3FB5]  }
0x2d: {  	s3 =	simm.s32 $0x108;
	s8 =	sld [smem:$0x3FB6]  }
0x2e: {  	s3 =	simm.s32 @!p0 $0x1082;
	s9 =	sld [smem:$0x3FB7]  }
0x2f: {  	lr =	sadd.s32 s0, s3;
	s0 =	sld [smem:$0x3FAE]  }
0x30: {  	s3 =	sld [smem:$0x3FB1]  }
0x31: {  	[smem:$0x3FBA] =	sst s10  }
0x32: {  	s10 =	sld [smem:$0x3FB8];
	_ =	sdelay $0x3  }
0x33: {  	p0 =	seq.s32 s10, $0x1;
	s10 =	sld [smem:$0x3FBA];
	_ =	sdelay $0x3  }
0x34: {  	[smem:$0x3FBA] =	sst s10  }
0x35: {  	s10 =	sld [smem:$0x3FB9];
	_ =	sdelay $0x3  }
0x36: {  	p1 =	seq.s32 s10, $0x1;
	s10 =	sld [smem:$0x3FBA];
	_ =	sdelay $0x3  }
0x37: {  	[smem:$0x3FBA] =	sst s10  }
0x38: {  	s10 =	sld [smem:$0x3FBB]  }
0x39: {  	_ = 	snop;
	(pc) =	sbr.ind lr, $3  }
0x3a: {  	_ = 	snop  }
0x3b: {  	_ = 	snop  }
0x3c: {  	p2 =	seq.s32 s10, $0x1;
	s10 =	sld [smem:$0x3FBA]  }
0x3d: {  	_ =	shalt  }
0x3e: {  	_ =	shalt  }
0x3f: {  	_ =	shalt  }
0x40: {  	_ =	shalt  }
0x41: {  	_ =	shalt  }
0x42: {  	_ =	shalt  }
0x43: {  	_ =	shalt  }
0x44: {  	_ =	shalt  }
0x45: {  	_ =	shalt  }
0x46: {  	_ =	shalt  }
0x47: {  	_ =	shalt  }
0x48: {  	_ =	shalt  }
0x49: {  	_ =	shalt  }
0x4a: {  	_ =	shalt  }
0x4b: {  	_ =	shalt  }
0x4c: {  	_ =	shalt  }
0x4d: {  	_ =	shalt  }
0x4e: {  	_ =	shalt  }
0x4f: {  	_ =	shalt  }
0x50: {  	_ =	shalt  }
0x51: {  	_ =	shalt  }
0x52: {  	_ =	shalt  }
0x53: {  	_ =	shalt  }
0x54: {  	_ =	shalt  }
0x55: {  	_ =	shalt  }
0x56: {  	_ =	shalt  }
0x57: {  	_ =	shalt  }
0x58: {  	_ =	shalt  }
0x59: {  	_ =	shalt  }
0x5a: {  	_ =	shalt  }
0x5b: {  	_ =	shalt  }
0x5c: {  	_ =	shalt  }
0x5d: {  	_ =	shalt  }
0x5e: {  	_ =	shalt  }
0x5f: {  	_ =	shalt  }
0x60: {  	_ =	shalt  }
0x61: {  	_ =	shalt  }
0x62: {  	_ =	shalt  }
0x63: {  	_ =	shalt  }
0x64: {  	_ =	shalt  }
0x65: {  	_ =	shalt  }
0x66: {  	_ =	shalt  }
0x67: {  	_ =	shalt  }
0x68: {  	_ =	shalt  }
0x69: {  	_ =	shalt  }
0x6a: {  	_ =	shalt  }
0x6b: {  	_ =	shalt  }
0x6c: {  	_ =	shalt  }
0x6d: {  	_ =	shalt  }
0x6e: {  	_ =	shalt  }
0x6f: {  	_ =	shalt  }
0x70: {  	_ =	shalt  }
0x71: {  	_ =	shalt  }
0x72: {  	_ =	shalt  }
0x73: {  	_ =	shalt  }
0x74: {  	_ =	shalt  }
0x75: {  	_ =	shalt  }
0x76: {  	_ =	shalt  }
0x77: {  	_ =	shalt  }
0x78: {  	_ =	shalt  }
0x79: {  	_ =	shalt  }
0x7a: {  	_ =	shalt  }
0x7b: {  	_ =	shalt  }
0x7c: {  	_ =	shalt  }
0x7d: {  	_ =	shalt  }
0x7e: {  	_ =	shalt  }
0x7f: {  	_ =	shalt  }
0x80: {  	_ =	shalt  }
0x81: {  	_ =	shalt  }
0x82: {  	_ =	shalt  }
0x83: {  	_ =	shalt  }
0x84: {  	_ =	shalt  }
0x85: {  	_ =	shalt  }
0x86: {  	_ =	shalt  }
0x87: {  	_ =	shalt  }
.Lfunc_end0:
.L_simem_size_0:
called_computation_lowered:
.L_overlay_start_0:
0x88: {  	s0 =	sld [smem:$0x3FD9]  }
0x89: {  	s1 =	sld [smem:$0x3FFE];
	_ =	sdelay $0x3  }
0x8a: {  	s0 =	sadd.s32 s1, s0  }
0x8b: {  	s15 =	simm.s32 $0x0;
	[smem:$0x3FC6] =	sst s0  }
0x8c: {  	[smem:$0xF] =	sst s15  }
0x8d: {  	s2 =	sld [smem:$0x3FC9]  }
0x8e: {  	s3 =	sld [smem:$0x3FC8]  }
0x8f: {  	s0 =	sld [smem:$0x3FD0];
	(tm) =	ssettm $0x1  }
0x90: {  	s16 =	sld [smem:$0x3FFB];
	_ =	sdelay $0x3  }
0x91: {  	_ =	strace s16  }
0x92: {  	s1 =	sld [smem:$0x3FFC];
	_ =	sdelay $0x2  }
0x93: {  	s17 =	simm.s32 $0x1B8B;
	s18 =	simm.s32 $0x1B8E  }
0x94: {  	s10 =	sadd.s32 $0x30, s2;
	s4 =	sadd.s32 $0x10, s0;
	_ =	strace s1  }
0x95: {  	s11 =	sadd.s32 $0x110, s3;
	s19 =	sadd.s32 $0x20, s0;
	s1 =	sld [smem:$0x3FFD]  }
0x96: {  	s9 =	sadd.s32 $0xFA0, s2;
	s20 =	sadd.s32 $0x30, s0;
	s8 =	sadd.s32 $0x3E70, s3  }
0x97: {  	s21 =	sadd.s32 $0x40, s0;
	s7 =	sadd.s32 $0x5DC0, s2;
	s22 =	sadd.s32 $0x50, s0  }
0x98: {  	s6 =	sadd.s32 $0x10000, s3;
	s23 =	sadd.s32 $0x60, s0;
	s5 =	sadd.s32 $0x1E610, s2  }
0x99: {  	s12 =	sadd.s32 $0x70, s0;
	s24 =	sadd.s32 $0x80, s0;
	_ =	strace s1  }
0x9a: {  	s13 =	sadd.s32 $0x4E200, s2;
	s25 =	sadd.s32 $0x90, s0;
	_ =	strace $0x8FFFFFFF  }
0x9b: {  	s26 =	sadd.s32 $0x82350, s3;
	s28 =	sadd.s32 $0xA0, s0;
	_ =	swait.ge [sflag:s17], $0x1  }
0x9c: {  	s29 =	sadd.s32 $0xAFC80, s2;
	s30 =	sadd.s32 $0xB0, s0;
	[sflag:s17] =	ssyncset.done $0x0  }
0x9d: {  	s31 =	sadd.s32 $0xD4310, s3;
	s14 =	sadd.s32 $0xEA600, s2;
	[sflag:s17] =	ssyncadd.s32 $0xFFFFFFFF  }
0x9e: {  	s15 =	sadd.s32 $0xD0, s0;
	s16 =	sadd.s32 $0x12FD10, s3;
	[smem:$0x3FD2] =	sst s18  }
0x9f: {  	s1 =	simm.s32 $0x9;
	s17 =	sadd.s32 $0xE0, s0;
	_ =	strace $0x80000046  }
0xa0: {  	[hbm:s0], [sflag:s1] =	dma.local [hbm:s10], $0x10  }
0xa1: {  	[hbm:s4], [sflag:s1] =	dma.local [hbm:s11], $0x10  }
0xa2: {  	[hbm:s19], [sflag:s1] =	dma.local [hbm:s9], $0x10  }
0xa3: {  	s18 =	sadd.s32 $0x15B380, s2;
	s4 =	sadd.s32 $0x30390, s3;
	s19 =	sadd.s32 $0xF0, s0  }
0xa4: {  	[hbm:s20], [sflag:s1] =	dma.local [hbm:s8], $0x10  }
0xa5: {  	[hbm:s21], [sflag:s1] =	dma.local [hbm:s7], $0x10  }
0xa6: {  	[hbm:s22], [sflag:s1] =	dma.local [hbm:s6], $0x10  }
0xa7: {  	s20 =	sadd.s32 $0x1869E0, s3;
	s21 =	sadd.s32 $0x100, s0;
	s22 =	sadd.s32 $0x30, s3  }
0xa8: {  	[hbm:s23], [sflag:s1] =	dma.local [hbm:s5], $0x10  }
0xa9: {  	[hbm:s12], [sflag:s1] =	dma.local [hbm:s4], $0x10  }
0xaa: {  	[hbm:s24], [sflag:s1] =	dma.local [hbm:s13], $0x10  }
0xab: {  	s23 =	sadd.s32 $0x110, s0;
	s12 =	sadd.s32 $0x250, s0;
	s13 =	sadd.s32 $0xC0, s0  }
0xac: {  	[hbm:s25], [sflag:s1] =	dma.local [hbm:s26], $0x10  }
0xad: {  	s24 =	sadd.s32 $0x110, s2;
	s25 =	sadd.s32 $0x120, s0;
	s26 =	sadd.s32 $0xFA0, s3  }
0xae: {  	[hbm:s28], [sflag:s1] =	dma.local [hbm:s29], $0x10  }
0xaf: {  	[hbm:s30], [sflag:s1] =	dma.local [hbm:s31], $0x10  }
0xb0: {  	s28 =	sadd.s32 $0x130, s0;
	s29 =	sadd.s32 $0x3E70, s2;
	s30 =	sadd.s32 $0x140, s0  }
0xb1: {  	[hbm:s13], [sflag:s1] =	dma.local [hbm:s14], $0x10  }
0xb2: {  	s31 =	sadd.s32 $0x5DC0, s3;
	s14 =	sadd.s32 $0x150, s0;
	s13 =	sadd.s32 $0x4E200, s3  }
0xb3: {  	[hbm:s15], [sflag:s1] =	dma.local [hbm:s16], $0x10  }
0xb4: {  	[hbm:s17], [sflag:s1] =	dma.local [hbm:s18], $0x10  }
0xb5: {  	s15 =	sadd.s32 $0x10000, s2;
	s16 =	sadd.s32 $0x160, s0;
	s17 =	sadd.s32 $0x1E610, s3  }
0xb6: {  	[hbm:s19], [sflag:s1] =	dma.local [hbm:s20], $0x10  }
0xb7: {  	s18 =	sadd.s32 $0x170, s0;
	s19 =	sadd.s32 $0x30390, s2;
	s20 =	sadd.s32 $0x180, s0  }
0xb8: {  	[hbm:s21], [sflag:s1] =	dma.local [hbm:s22], $0x10  }
0xb9: {  	[hbm:s23], [sflag:s1] =	dma.local [hbm:s24], $0x10  }
0xba: {  	s21 =	sadd.s32 $0x190, s0;
	s22 =	sadd.s32 $0x1A0, s0;
	s23 =	sadd.s32 $0x1B0, s0  }
0xbb: {  	[hbm:s25], [sflag:s1] =	dma.local [hbm:s26], $0x10  }
0xbc: {  	s24 =	sadd.s32 $0x1C0, s0;
	s25 =	sadd.s32 $0x1D0, s0;
	s26 =	sadd.s32 $0x1E0, s0  }
0xbd: {  	[hbm:s28], [sflag:s1] =	dma.local [hbm:s29], $0x10  }
0xbe: {  	[hbm:s30], [sflag:s1] =	dma.local [hbm:s31], $0x10  }
0xbf: {  	s28 =	sadd.s32 $0x1F0, s0;
	s29 =	sadd.s32 $0x200, s0;
	s30 =	sadd.s32 $0x210, s0  }
0xc0: {  	[hbm:s14], [sflag:s1] =	dma.local [hbm:s15], $0x10  }
0xc1: {  	s31 =	sadd.s32 $0x220, s0;
	s14 =	sadd.s32 $0x82350, s2;
	s15 =	sadd.s32 $0xAFC80, s3  }
0xc2: {  	[hbm:s16], [sflag:s1] =	dma.local [hbm:s17], $0x10  }
0xc3: {  	s16 =	sadd.s32 $0xD4310, s2;
	s17 =	sadd.s32 $0xEA600, s3;
	s3 =	sadd.s32 $0x15B380, s3  }
0xc4: {  	[hbm:s18], [sflag:s1] =	dma.local [hbm:s19], $0x10  }
0xc5: {  	s18 =	sadd.s32 $0x12FD10, s2;
	s2 =	sadd.s32 $0x1869E0, s2  }
0xc6: {  	[hbm:s20], [sflag:s1] =	dma.local [hbm:s13], $0x10  }
0xc7: {  	[hbm:s21], [sflag:s1] =	dma.local [hbm:s14], $0x10  }
0xc8: {  	s19 =	sadd.s32 $0x270, s0;
	s20 =	sadd.s32 $0x280, s0;
	s21 =	sadd.s32 $0x290, s0  }
0xc9: {  	[hbm:s22], [sflag:s1] =	dma.local [hbm:s15], $0x10  }
0xca: {  	[hbm:s23], [sflag:s1] =	dma.local [hbm:s16], $0x10  }
0xcb: {  	[hbm:s24], [sflag:s1] =	dma.local [hbm:s17], $0x10  }
0xcc: {  	s22 =	sadd.s32 $0x2A0, s0;
	s23 =	sadd.s32 $0x2B0, s0;
	s24 =	sadd.s32 $0x2C0, s0  }
0xcd: {  	[hbm:s25], [sflag:s1] =	dma.local [hbm:s18], $0x10  }
0xce: {  	[hbm:s26], [sflag:s1] =	dma.local [hbm:s3], $0x10  }
0xcf: {  	[hbm:s28], [sflag:s1] =	dma.local [hbm:s2], $0x10  }
0xd0: {  	[hbm:s29], [sflag:s1] =	dma.local [hbm:s10], $0x10  }
0xd1: {  	[hbm:s30], [sflag:s1] =	dma.local [hbm:s2], $0x10  }
0xd2: {  	[hbm:s31], [sflag:s1] =	dma.local [hbm:s11], $0x10  }
0xd3: {  	s25 =	sadd.s32 $0x2D0, s0;
	s10 =	sadd.s32 $0x230, s0;
	s11 =	sadd.s32 $0x240, s0  }
0xd4: {  	[hbm:s10], [sflag:s1] =	dma.local [hbm:s3], $0x10  }
0xd5: {  	[hbm:s11], [sflag:s1] =	dma.local [hbm:s9], $0x10  }
0xd6: {  	[hbm:s12], [sflag:s1] =	dma.local [hbm:s18], $0x10  }
0xd7: {  	s26 =	sadd.s32 $0x2E0, s0;
	s18 =	sadd.s32 $0x260, s0;
	s0 =	sadd.s32 $0x2F0, s0  }
0xd8: {  	[hbm:s18], [sflag:s1] =	dma.local [hbm:s8], $0x10  }
0xd9: {  	[hbm:s19], [sflag:s1] =	dma.local [hbm:s17], $0x10  }
0xda: {  	[hbm:s20], [sflag:s1] =	dma.local [hbm:s7], $0x10  }
0xdb: {  	[hbm:s21], [sflag:s1] =	dma.local [hbm:s16], $0x10  }
0xdc: {  	[hbm:s22], [sflag:s1] =	dma.local [hbm:s6], $0x10  }
0xdd: {  	[hbm:s23], [sflag:s1] =	dma.local [hbm:s15], $0x10  }
0xde: {  	[hbm:s24], [sflag:s1] =	dma.local [hbm:s5], $0x10  }
0xdf: {  	[hbm:s25], [sflag:s1] =	dma.local [hbm:s14], $0x10  }
0xe0: {  	[hbm:s26], [sflag:s1] =	dma.local [hbm:s4], $0x10  }
0xe1: {  	[hbm:s0], [sflag:s1] =	dma.local [hbm:s13], $0x10  }
0xe2: {  	_ =	swait.ge [sflag:s1], $0x300  }
0xe3: {  	[sflag:s1] =	ssyncset.done $0x0  }
0xe4: {  	[sflag:s1] =	ssyncadd.s32 $0xFFFFFD00  }
0xe5: {  	_ =	strace $0x90000046  }
0xe6: {  	_ =	sfence  }
0xe7: {  	s28 =	sld [smem:$0x0];
	_ =	sdelay $0x1  }
0xe8: {  	s29 =	srdreg.scid  }
0xe9: {  	s30 =	sshll.u32 s29, $0xD;
	s31 =	sshrl.u32 s29, $0x2  }
0xea: {  	s2 =	sand.u32 $0x4000, s30;
	s1 =	sand.u32 $0x1, s29;
	s0 =	sadd.s32 s31, s28  }
0xeb: {  	s1 =	sor.u32 s2, s1;
	s0 =	sshll.u32 s0, $0x11  }
0xec: {  	s0 =	sor.u32 s0, s1  }
0xed: {  	s0 =	sadd.s32 $0x8F2B, s0;
	(pc) =	sbr.abs _section_cstart, $3  }
0xee: {  	[sflag:s0] =	ssyncadd.remote.s32 $0x1  }
0xef: {  	_ =	strace $0x9FFFFFFF  }
0xf0: {  	(tm) =	ssettm $0x7FFFFFFF  }
0xf1: {  	_ =	shalt  }

</sc_bundles>
